<compile_context>
chip_gen: v7x
topology: tpu7x:2x2x1
jax: 0.10.2.dev20260603
libtpu: 0.0.44.dev20260713+nightly
codegen_flags: <defaults>
</compile_context>

<pallas_src>
import numpy as np
import jax
import jax.numpy as jnp
from jax import lax
from jax.experimental import pallas as pl
from jax.experimental.pallas import tpu as pltpu
from jax.experimental.pallas import tpu_sc as plsc

_NUM_TIMESTEPS = 1000
_S = 0.008

B, N, M, D = 32, 1000, 8192, 8
BN = B * N

_R = 320
_GRID = BN // _R


def _schedule_tables():
    steps = _NUM_TIMESTEPS + 1
    x = np.linspace(0, _NUM_TIMESTEPS, steps)
    ac = np.cos((x / _NUM_TIMESTEPS + _S) / (1 + _S) * np.pi * 0.5) ** 2
    ac = ac / ac[0]
    betas = np.clip(1 - ac[1:] / ac[:-1], 0.0001, 0.9999)
    acp = np.cumprod(1.0 - betas)
    sqrt_ac = np.sqrt(acp).astype(np.float32)
    sqrt_1mac = np.sqrt(1.0 - acp).astype(np.float32)
    return jnp.asarray(sqrt_ac), jnp.asarray(sqrt_1mac)


def _argmin_body(x_ref, a_ref, x2_ref, a2_ref, idx_ref):
    x_blk = x_ref[...]
    a_blk = a_ref[...]
    cross = jnp.dot(x_blk, a_blk, preferred_element_type=jnp.float32)
    d2 = jnp.maximum(x2_ref[...] - 2.0 * cross + a2_ref[...], 0.0)
    dist = jnp.sqrt(d2)
    mn = jnp.min(dist, axis=1, keepdims=True)
    ii = lax.broadcasted_iota(jnp.int32, (_R, M), 1)
    idx = jnp.min(jnp.where(dist == mn, ii, jnp.int32(M)), axis=1)
    idx_ref[0, 0, :] = idx


def _nn_indices(x2d, a_t, x2, a2):
    out = pl.pallas_call(
        _argmin_body,
        grid=(_GRID,),
        in_specs=[
            pl.BlockSpec((_R, D), lambda i: (i, 0)),
            pl.BlockSpec((D, M), lambda i: (0, 0)),
            pl.BlockSpec((_R, 1), lambda i: (i, 0)),
            pl.BlockSpec((1, M), lambda i: (0, 0)),
        ],
        out_specs=pl.BlockSpec((1, 1, _R), lambda i: (i, 0, 0)),
        out_shape=jax.ShapeDtypeStruct((_GRID, 1, _R), jnp.int32),
    )(x2d, a_t, x2, a2)
    return out.reshape(BN)


def _gather_combine_body(x_hbm, idx_hbm, anc_hbm, sa_hbm, sb_hbm,
                         out_hbm, x_v, idx_v, anc_v, sa_v, sb_v, out_v):
    nc = 2
    w = lax.axis_index("s") * nc + lax.axis_index("c")
    base = w * N
    pltpu.sync_copy(anc_hbm, anc_v)
    pltpu.sync_copy(x_hbm.at[pl.ds(base * D, N * D)], x_v)
    pltpu.sync_copy(idx_hbm.at[pl.ds(base, N)], idx_v.at[pl.ds(0, N)])
    pltpu.sync_copy(sa_hbm.at[pl.ds(w * 16, 16)], sa_v)
    pltpu.sync_copy(sb_hbm.at[pl.ds(w * 16, 16)], sb_v)

    lanes = lax.iota(jnp.int32, 16)
    sa = sa_v[...]
    sb = sb_v[...]
    row_off = lax.shift_right_logical(lanes, 3)
    d_off = lanes & 7

    def body(i, _):
        ridx = plsc.load_gather(idx_v, [i * 2 + row_off])
        addr = ridx * D + d_off
        ag = plsc.load_gather(anc_v, [addr])
        xv = x_v[pl.ds(i * 16, 16)]
        out_v[pl.ds(i * 16, 16)] = sa * xv + sb * ag
        return 0

    lax.fori_loop(0, (N * D) // 16, body, 0)
    pltpu.sync_copy(out_v, out_hbm.at[pl.ds(base * D, N * D)])


def _gather_combine(x_flat, idx, anc_flat, sa_exp, sb_exp):
    mesh = plsc.VectorSubcoreMesh(core_axis_name="c", subcore_axis_name="s")
    f = pl.kernel(
        _gather_combine_body,
        out_type=jax.ShapeDtypeStruct((BN * D,), jnp.float32),
        mesh=mesh,
        compiler_params=pltpu.CompilerParams(needs_layout_passes=False),
        scratch_types=[
            pltpu.VMEM((N * D,), jnp.float32),
            pltpu.VMEM((1024,), jnp.int32),
            pltpu.VMEM((M * D,), jnp.float32),
            pltpu.VMEM((16,), jnp.float32),
            pltpu.VMEM((16,), jnp.float32),
            pltpu.VMEM((N * D,), jnp.float32),
        ],
    )
    return f(x_flat, idx, anc_flat, sa_exp, sb_exp)


def kernel(x_start, t, anchors):
    sqa, sqb = _schedule_tables()
    ti = t.astype(jnp.int32)
    sa_exp = jnp.broadcast_to(sqa[ti][:, None], (B, 16)).reshape(B * 16)
    sb_exp = jnp.broadcast_to(sqb[ti][:, None], (B, 16)).reshape(B * 16)
    x_flat3 = x_start.reshape(B, N, -1)
    a2d = anchors.reshape(M, -1)
    a_t = a2d.T
    x2 = jnp.sum(x_flat3 * x_flat3, axis=-1, keepdims=True)
    a2 = jnp.sum(a2d * a2d, axis=-1)[None, :]
    x2d = x_start.reshape(BN, D)
    idx = _nn_indices(x2d, a_t, x2.reshape(BN, 1), a2)
    out = _gather_combine(
        x2d.reshape(BN * D), idx, anchors.reshape(M * D), sa_exp, sb_exp)
    return out.reshape(B, N, 4, 2)

# --- scband reference (transcript-rebuilt; emitter-appended) ---
"""Pipeline reference for scband-cold-diffusion-44470091382916 (READ-ONLY COPY).

The authoritative reference and input builder live on the scoring server;
editing this copy changes nothing except your own understanding.
"""

import jax, jax.numpy as jnp
import numpy as np

NUM_TIMESTEPS = 1000
S = 0.008


def cosine_beta_schedule(timesteps, s=0.008):
    steps = timesteps + 1
    x = np.linspace(0, timesteps, steps)
    alphas_cumprod = np.cos((x / timesteps + s) / (1 + s) * np.pi * 0.5) ** 2
    alphas_cumprod = alphas_cumprod / alphas_cumprod[0]
    betas = 1 - alphas_cumprod[1:] / alphas_cumprod[:-1]
    return np.clip(betas, 0.0001, 0.9999)


def make_buffers():
    betas = jnp.asarray(cosine_beta_schedule(NUM_TIMESTEPS, S), dtype=jnp.float32)
    alphas = 1.0 - betas
    alphas_cumprod = jnp.cumprod(alphas, axis=0)
    sqrt_alphas_cumprod = jnp.sqrt(alphas_cumprod)
    sqrt_one_minus_alphas_cumprod = jnp.sqrt(1.0 - alphas_cumprod)
    return sqrt_alphas_cumprod, sqrt_one_minus_alphas_cumprod


def setup_inputs(seed: int = 0) -> dict:
    key = jax.random.key(seed)
    k1, k2, k3 = jax.random.split(key, 3)
    x_start = jax.random.normal(k1, (32, 1000, 4, 2), dtype=jnp.float32)
    t = jax.random.randint(k2, (32,), 0, NUM_TIMESTEPS, dtype=jnp.int64 if jax.config.jax_enable_x64 else jnp.int32)
    anchors = jax.random.normal(k3, (8192, 4, 2), dtype=jnp.float32)
    return {"x_start": x_start, "t": t, "anchors": anchors}


def reference(x_start, t, anchors):
    # ColdDiffusion.q_sample with anchor matching (1-NN retrieval into anchor pool)
    sqrt_ac, sqrt_1mac = make_buffers()
    B, N = x_start.shape[0], x_start.shape[1]
    sa = sqrt_ac[t].reshape(B, 1, 1, 1)
    sb = sqrt_1mac[t].reshape(B, 1, 1, 1)
    # cdist(p=2) between flattened control points and flattened anchors
    x_flat = x_start.reshape(B, N, -1)            # [B, N, 8]
    a_flat = anchors.reshape(anchors.shape[0], -1)  # [M, 8]
    x2 = jnp.sum(x_flat * x_flat, axis=-1, keepdims=True)        # [B, N, 1]
    a2 = jnp.sum(a_flat * a_flat, axis=-1)[None, None, :]        # [1, 1, M]
    cross = jnp.einsum('bnd,md->bnm', x_flat, a_flat)            # [B, N, M]
    d2 = jnp.maximum(x2 - 2.0 * cross + a2, 0.0)
    dist = jnp.sqrt(d2)
    matched_indices = jnp.argmin(dist, axis=-1)                  # [B, N]
    matched_anchors = anchors[matched_indices]                   # [B, N, 4, 2] gather
    x_t = sa * x_start + sb * matched_anchors
    return x_t

if __name__ == "__main__":
    import jax
    _d = setup_inputs()
    print(jax.jit(kernel)(*tuple(_d.values())))

</pallas_src>

<mosaic_0001>
#map = affine_map<(d0, d1) -> (0)>
module attributes {stable_mosaic.version = 14 : i64} {
  func.func @_gather_combine_body(%arg0: i32, %arg1: i32, %arg2: memref<256000xf32, #tpu.memory_space<hbm>>, %arg3: memref<32000xi32, #tpu.memory_space<hbm>>, %arg4: memref<65536xf32, #tpu.memory_space<hbm>>, %arg5: memref<512xf32, #tpu.memory_space<hbm>>, %arg6: memref<512xf32, #tpu.memory_space<hbm>>, %arg7: memref<256000xf32, #tpu.memory_space<hbm>>, %arg8: memref<8000xf32, #tpu.memory_space<vmem>>, %arg9: memref<1024xi32, #tpu.memory_space<vmem>>, %arg10: memref<65536xf32, #tpu.memory_space<vmem>>, %arg11: memref<16xf32, #tpu.memory_space<vmem>>, %arg12: memref<16xf32, #tpu.memory_space<vmem>>, %arg13: memref<8000xf32, #tpu.memory_space<vmem>>) attributes {dimension_semantics = [#tpu.dimension_semantics<core_parallel>, #tpu.dimension_semantics<subcore_parallel>], iteration_bounds = array<i64: 2, 16>, scalar_prefetch = 0 : i64, scratch_operands = 6 : i64, tpu.core_type = #tpu.core_type<sc_vector_subcore>, window_params = [{transform_indices = #map}, {transform_indices = #map}, {transform_indices = #map}, {transform_indices = #map}, {transform_indices = #map}, {transform_indices = #map}]} {
    %mul3A = arith.constant 2 : i32
    %mul3A_0 = arith.muli %arg1, %mul3A : i32
    %add3A = arith.addi %mul3A_0, %arg0 : i32
    %mul3A_1 = arith.constant 1000 : i32
    %mul3A_2 = arith.muli %add3A, %mul3A_1 : i32
    "tpu.region"() ({
      %run_scoped3A = tpu.sem_alloc : memref<!tpu.dma_semaphore, #tpu.memory_space<semaphore_mem>>
      tpu.enqueue_dma source(%arg4 : memref<65536xf32, #tpu.memory_space<hbm>>) target(%arg10 : memref<65536xf32, #tpu.memory_space<vmem>>) target_semaphore(%run_scoped3A : memref<!tpu.dma_semaphore, #tpu.memory_space<semaphore_mem>>)
      tpu.wait_dma2 semaphore(%run_scoped3A : memref<!tpu.dma_semaphore, #tpu.memory_space<semaphore_mem>>) src(%arg4 : memref<65536xf32, #tpu.memory_space<hbm>>) dst(%arg10 : memref<65536xf32, #tpu.memory_space<vmem>>)
      tpu.yield
    }) : () -> ()
    %mul3A_3 = arith.constant 8 : i32
    %mul3A_4 = arith.muli %mul3A_2, %mul3A_3 : i32
    "tpu.region"() ({
      %run_scoped3A = tpu.sem_alloc : memref<!tpu.dma_semaphore, #tpu.memory_space<semaphore_mem>>
      %dma_start3A = tpu.memref_slice %arg2[%mul3A_4] : memref<256000xf32, #tpu.memory_space<hbm>> -> memref<8000xf32, #tpu.memory_space<hbm>>
      %dma_start3A_24 = tpu.memref_slice %arg2[%mul3A_4] : memref<256000xf32, #tpu.memory_space<hbm>> -> memref<8000xf32, #tpu.memory_space<hbm>>
      tpu.enqueue_dma source(%dma_start3A_24 : memref<8000xf32, #tpu.memory_space<hbm>>) target(%arg8 : memref<8000xf32, #tpu.memory_space<vmem>>) target_semaphore(%run_scoped3A : memref<!tpu.dma_semaphore, #tpu.memory_space<semaphore_mem>>)
      %dma_wait3A = tpu.memref_slice %arg2[%mul3A_4] : memref<256000xf32, #tpu.memory_space<hbm>> -> memref<8000xf32, #tpu.memory_space<hbm>>
      %dma_wait3A_25 = tpu.memref_slice %arg2[%mul3A_4] : memref<256000xf32, #tpu.memory_space<hbm>> -> memref<8000xf32, #tpu.memory_space<hbm>>
      tpu.wait_dma2 semaphore(%run_scoped3A : memref<!tpu.dma_semaphore, #tpu.memory_space<semaphore_mem>>) src(%dma_wait3A_25 : memref<8000xf32, #tpu.memory_space<hbm>>) dst(%arg8 : memref<8000xf32, #tpu.memory_space<vmem>>)
      tpu.yield
    }) : () -> ()
    "tpu.region"() ({
      %run_scoped3A = tpu.sem_alloc : memref<!tpu.dma_semaphore, #tpu.memory_space<semaphore_mem>>
      %dma_start3A = arith.constant 0 : i32
      %dma_start3A_24 = tpu.memref_slice %arg9[%dma_start3A] : memref<1024xi32, #tpu.memory_space<vmem>> -> memref<1000xi32, #tpu.memory_space<vmem>>
      %dma_start3A_25 = tpu.memref_slice %arg3[%mul3A_2] : memref<32000xi32, #tpu.memory_space<hbm>> -> memref<1000xi32, #tpu.memory_space<hbm>>
      %dma_start3A_26 = arith.constant 0 : i32
      %dma_start3A_27 = tpu.memref_slice %arg9[%dma_start3A_26] : memref<1024xi32, #tpu.memory_space<vmem>> -> memref<1000xi32, #tpu.memory_space<vmem>>
      %dma_start3A_28 = tpu.memref_slice %arg3[%mul3A_2] : memref<32000xi32, #tpu.memory_space<hbm>> -> memref<1000xi32, #tpu.memory_space<hbm>>
      tpu.enqueue_dma source(%dma_start3A_28 : memref<1000xi32, #tpu.memory_space<hbm>>) target(%dma_start3A_27 : memref<1000xi32, #tpu.memory_space<vmem>>) target_semaphore(%run_scoped3A : memref<!tpu.dma_semaphore, #tpu.memory_space<semaphore_mem>>)
      %dma_wait3A = arith.constant 0 : i32
      %dma_wait3A_29 = tpu.memref_slice %arg9[%dma_wait3A] : memref<1024xi32, #tpu.memory_space<vmem>> -> memref<1000xi32, #tpu.memory_space<vmem>>
      %dma_wait3A_30 = tpu.memref_slice %arg3[%mul3A_2] : memref<32000xi32, #tpu.memory_space<hbm>> -> memref<1000xi32, #tpu.memory_space<hbm>>
      %dma_wait3A_31 = arith.constant 0 : i32
      %dma_wait3A_32 = tpu.memref_slice %arg9[%dma_wait3A_31] : memref<1024xi32, #tpu.memory_space<vmem>> -> memref<1000xi32, #tpu.memory_space<vmem>>
      %dma_wait3A_33 = tpu.memref_slice %arg3[%mul3A_2] : memref<32000xi32, #tpu.memory_space<hbm>> -> memref<1000xi32, #tpu.memory_space<hbm>>
      tpu.wait_dma2 semaphore(%run_scoped3A : memref<!tpu.dma_semaphore, #tpu.memory_space<semaphore_mem>>) src(%dma_wait3A_33 : memref<1000xi32, #tpu.memory_space<hbm>>) dst(%dma_wait3A_32 : memref<1000xi32, #tpu.memory_space<vmem>>)
      tpu.yield
    }) : () -> ()
    %mul3A_5 = arith.constant 16 : i32
    %mul3A_6 = arith.muli %add3A, %mul3A_5 : i32
    "tpu.region"() ({
      %run_scoped3A = tpu.sem_alloc : memref<!tpu.dma_semaphore, #tpu.memory_space<semaphore_mem>>
      %dma_start3A = tpu.memref_slice %arg5[%mul3A_6] : memref<512xf32, #tpu.memory_space<hbm>> -> memref<16xf32, #tpu.memory_space<hbm>>
      %dma_start3A_24 = tpu.memref_slice %arg5[%mul3A_6] : memref<512xf32, #tpu.memory_space<hbm>> -> memref<16xf32, #tpu.memory_space<hbm>>
      tpu.enqueue_dma source(%dma_start3A_24 : memref<16xf32, #tpu.memory_space<hbm>>) target(%arg11 : memref<16xf32, #tpu.memory_space<vmem>>) target_semaphore(%run_scoped3A : memref<!tpu.dma_semaphore, #tpu.memory_space<semaphore_mem>>)
      %dma_wait3A = tpu.memref_slice %arg5[%mul3A_6] : memref<512xf32, #tpu.memory_space<hbm>> -> memref<16xf32, #tpu.memory_space<hbm>>
      %dma_wait3A_25 = tpu.memref_slice %arg5[%mul3A_6] : memref<512xf32, #tpu.memory_space<hbm>> -> memref<16xf32, #tpu.memory_space<hbm>>
      tpu.wait_dma2 semaphore(%run_scoped3A : memref<!tpu.dma_semaphore, #tpu.memory_space<semaphore_mem>>) src(%dma_wait3A_25 : memref<16xf32, #tpu.memory_space<hbm>>) dst(%arg11 : memref<16xf32, #tpu.memory_space<vmem>>)
      tpu.yield
    }) : () -> ()
    %mul3A_7 = arith.constant 16 : i32
    %mul3A_8 = arith.muli %add3A, %mul3A_7 : i32
    "tpu.region"() ({
      %run_scoped3A = tpu.sem_alloc : memref<!tpu.dma_semaphore, #tpu.memory_space<semaphore_mem>>
      %dma_start3A = tpu.memref_slice %arg6[%mul3A_8] : memref<512xf32, #tpu.memory_space<hbm>> -> memref<16xf32, #tpu.memory_space<hbm>>
      %dma_start3A_24 = tpu.memref_slice %arg6[%mul3A_8] : memref<512xf32, #tpu.memory_space<hbm>> -> memref<16xf32, #tpu.memory_space<hbm>>
      tpu.enqueue_dma source(%dma_start3A_24 : memref<16xf32, #tpu.memory_space<hbm>>) target(%arg12 : memref<16xf32, #tpu.memory_space<vmem>>) target_semaphore(%run_scoped3A : memref<!tpu.dma_semaphore, #tpu.memory_space<semaphore_mem>>)
      %dma_wait3A = tpu.memref_slice %arg6[%mul3A_8] : memref<512xf32, #tpu.memory_space<hbm>> -> memref<16xf32, #tpu.memory_space<hbm>>
      %dma_wait3A_25 = tpu.memref_slice %arg6[%mul3A_8] : memref<512xf32, #tpu.memory_space<hbm>> -> memref<16xf32, #tpu.memory_space<hbm>>
      tpu.wait_dma2 semaphore(%run_scoped3A : memref<!tpu.dma_semaphore, #tpu.memory_space<semaphore_mem>>) src(%dma_wait3A_25 : memref<16xf32, #tpu.memory_space<hbm>>) dst(%arg12 : memref<16xf32, #tpu.memory_space<vmem>>)
      tpu.yield
    }) : () -> ()
    %iota3A = tpu.iota {dimensions = array<i32: 0>} : vector<16xi32>
    %get3A = arith.constant 0 : index
    %get3A_9 = tpu.vector_load %arg11[%get3A] {strides = array<i32>} : memref<16xf32, #tpu.memory_space<vmem>>, vector<16xf32>,
    %get3A_10 = arith.constant 0 : index
    %get3A_11 = tpu.vector_load %arg12[%get3A_10] {strides = array<i32>} : memref<16xf32, #tpu.memory_space<vmem>>, vector<16xf32>,
    %shift_right_logical3A = arith.constant 3 : i32
    %shift_right_logical3A_12 = vector.broadcast %shift_right_logical3A : i32 to vector<16xi32>
    %shift_right_logical3A_13 = arith.shrui %iota3A, %shift_right_logical3A_12 : vector<16xi32>
    %and3A = arith.constant 7 : i32
    %and3A_14 = vector.broadcast %and3A : i32 to vector<16xi32>
    %and3A_15 = arith.andi %iota3A, %and3A_14 : vector<16xi32>
    %scan3A = arith.constant 0 : i32
    %scan3A_16 = arith.constant 0 : i32
    %scan3A_17 = arith.constant 500 : i32
    %scan3A_18 = arith.addi %scan3A_16, %scan3A_17 : i32
    %scan3A_19 = arith.constant 1 : i32
    %scan3A_20 = scf.for %scan3A_24 = %scan3A_16 to %scan3A_18 step %scan3A_19 iter_args(%scan3A_25 = %scan3A) -> (i32)  : i32 {
      %mul3A_26 = arith.constant 2 : i32
      %mul3A_27 = arith.muli %scan3A_24, %mul3A_26 : i32
      %add3A_28 = vector.broadcast %mul3A_27 : i32 to vector<16xi32>
      %add3A_29 = arith.addi %add3A_28, %shift_right_logical3A_13 : vector<16xi32>
      %gather3A = tpu.vector_load_idx %arg9[%add3A_29] : memref<1024xi32, #tpu.memory_space<vmem>>[vector<16xi32>], vector<16xi32>,
      %mul3A_30 = arith.constant 8 : i32
      %mul3A_31 = vector.broadcast %mul3A_30 : i32 to vector<16xi32>
      %mul3A_32 = arith.muli %gather3A, %mul3A_31 : vector<16xi32>
      %add3A_33 = arith.addi %mul3A_32, %and3A_15 : vector<16xi32>
      %gather3A_34 = tpu.vector_load_idx %arg10[%add3A_33] : memref<65536xf32, #tpu.memory_space<vmem>>[vector<16xi32>], vector<16xf32>,
      %mul3A_35 = arith.constant 16 : i32
      %mul3A_36 = arith.muli %scan3A_24, %mul3A_35 : i32
      %get3A_37 = arith.index_cast %mul3A_36 : i32 to index
      %get3A_38 = tpu.vector_load %arg8[%get3A_37] {strides = array<i32>} : memref<8000xf32, #tpu.memory_space<vmem>>, vector<16xf32>,
      %mul3A_39 = arith.mulf %get3A_9, %get3A_38 : vector<16xf32>
      %mul3A_40 = arith.mulf %get3A_11, %gather3A_34 : vector<16xf32>
      %add3A_41 = arith.addf %mul3A_39, %mul3A_40 : vector<16xf32>
      %mul3A_42 = arith.constant 16 : i32
      %mul3A_43 = arith.muli %scan3A_24, %mul3A_42 : i32
      %swap3A = arith.index_cast %mul3A_43 : i32 to index
      %swap3A_44 = tpu.vector_load %arg13[%swap3A] {strides = array<i32>} : memref<8000xf32, #tpu.memory_space<vmem>>, vector<16xf32>,
      tpu.vector_store %arg13[%swap3A], %add3A_41 {strides = array<i32>} : memref<8000xf32, #tpu.memory_space<vmem>>, vector<16xf32>,
      %scan3A_45 = arith.constant 0 : i32
      scf.yield %scan3A_45 : i32
    }
    %scan3A_21 = arith.constant 500 : i32
    %mul3A_22 = arith.constant 8 : i32
    %mul3A_23 = arith.muli %mul3A_2, %mul3A_22 : i32
    "tpu.region"() ({
      %run_scoped3A = tpu.sem_alloc : memref<!tpu.dma_semaphore, #tpu.memory_space<semaphore_mem>>
      %dma_start3A = tpu.memref_slice %arg7[%mul3A_23] : memref<256000xf32, #tpu.memory_space<hbm>> -> memref<8000xf32, #tpu.memory_space<hbm>>
      %dma_start3A_24 = tpu.memref_slice %arg7[%mul3A_23] : memref<256000xf32, #tpu.memory_space<hbm>> -> memref<8000xf32, #tpu.memory_space<hbm>>
      tpu.enqueue_dma source(%arg13 : memref<8000xf32, #tpu.memory_space<vmem>>) target(%dma_start3A_24 : memref<8000xf32, #tpu.memory_space<hbm>>) target_semaphore(%run_scoped3A : memref<!tpu.dma_semaphore, #tpu.memory_space<semaphore_mem>>)
      %dma_wait3A = tpu.memref_slice %arg7[%mul3A_23] : memref<256000xf32, #tpu.memory_space<hbm>> -> memref<8000xf32, #tpu.memory_space<hbm>>
      %dma_wait3A_25 = tpu.memref_slice %arg7[%mul3A_23] : memref<256000xf32, #tpu.memory_space<hbm>> -> memref<8000xf32, #tpu.memory_space<hbm>>
      tpu.wait_dma2 semaphore(%run_scoped3A : memref<!tpu.dma_semaphore, #tpu.memory_space<semaphore_mem>>) src(%arg13 : memref<8000xf32, #tpu.memory_space<vmem>>) dst(%dma_wait3A_25 : memref<8000xf32, #tpu.memory_space<hbm>>)
      tpu.yield
    }) : () -> ()
    return
  }
}

module attributes {stable_mosaic.version = 14 : i64} {
  func.func @_argmin_body(%arg0: i32, %arg1: memref<320x8xf32, #tpu.memory_space<vmem>>, %arg2: memref<8x8192xf32, #tpu.memory_space<vmem>>, %arg3: memref<320x1xf32, #tpu.memory_space<vmem>>, %arg4: memref<1x8192xf32, #tpu.memory_space<vmem>>, %arg5: memref<1x1x320xi32, #tpu.memory_space<vmem>>) attributes {dimension_semantics = [#tpu.dimension_semantics<arbitrary>], iteration_bounds = array<i64: 100>, scalar_prefetch = 0 : i64, scratch_operands = 0 : i64, tpu.core_type = #tpu.core_type<tc>, window_params = [{transform_indices = @transform_0, window_bounds = array<i64: 320, 8>}, {pipeline_mode = #tpu.pipeline_mode<synchronous>, transform_indices = @transform_1, window_bounds = array<i64: 8, 8192>}, {transform_indices = @transform_2, window_bounds = array<i64: 320, 1>}, {pipeline_mode = #tpu.pipeline_mode<synchronous>, transform_indices = @transform_3, window_bounds = array<i64: 1, 8192>}, {transform_indices = @transform_4, window_bounds = array<i64: 1, 1, 320>}]} {
    %get3A = arith.constant 0 : index
    %get3A_0 = arith.constant 0 : index
    %get3A_1 = vector.load %arg1[%get3A, %get3A_0] : memref<320x8xf32, #tpu.memory_space<vmem>>, vector<320x8xf32>
    %get3A_2 = arith.constant 0 : index
    %get3A_3 = arith.constant 0 : index
    %get3A_4 = vector.load %arg2[%get3A_2, %get3A_3] : memref<8x8192xf32, #tpu.memory_space<vmem>>, vector<8x8192xf32>
    %dot_general3A = arith.constant dense<0.000000e+00> : vector<320x8192xf32>
    %dot_general3A_5 = tpu.matmul %get3A_1, %get3A_4, %dot_general3A {dimension_numbers = #tpu.dot_dimension_numbers<[1], [0], [0], [1], [0, 0, 1, 1], [], []>, transpose_lhs_hint = false} : vector<320x8xf32>, vector<8x8192xf32>, vector<320x8192xf32> -> vector<320x8192xf32>
    %get3A_6 = arith.constant 0 : index
    %get3A_7 = arith.constant 0 : index
    %get3A_8 = vector.load %arg3[%get3A_6, %get3A_7] : memref<320x1xf32, #tpu.memory_space<vmem>>, vector<320x1xf32>
    %mul3A = arith.constant 2.000000e+00 : f32
    %mul3A_9 = vector.broadcast %mul3A : f32 to vector<320x8192xf32>
    %mul3A_10 = arith.mulf %mul3A_9, %dot_general3A_5 : vector<320x8192xf32>
    %sub3A = vector.broadcast %get3A_8 : vector<320x1xf32> to vector<320x8192xf32>
    %sub3A_11 = arith.subf %sub3A, %mul3A_10 : vector<320x8192xf32>
    %get3A_12 = arith.constant 0 : index
    %get3A_13 = arith.constant 0 : index
    %get3A_14 = vector.load %arg4[%get3A_12, %get3A_13] : memref<1x8192xf32, #tpu.memory_space<vmem>>, vector<1x8192xf32>
    %add3A = vector.broadcast %get3A_14 : vector<1x8192xf32> to vector<320x8192xf32>
    %add3A_15 = arith.addf %sub3A_11, %add3A : vector<320x8192xf32>
    %max3A = arith.constant 0.000000e+00 : f32
    %max3A_16 = vector.broadcast %max3A : f32 to vector<320x8192xf32>
    %max3A_17 = arith.maximumf %add3A_15, %max3A_16 : vector<320x8192xf32>
    %sqrt3A = math.sqrt %max3A_17 : vector<320x8192xf32>
    %reduce_min3A = arith.constant dense<0x7F800000> : vector<320xf32>
    %reduce_min3A_18 = vector.multi_reduction <minimumf>, %sqrt3A, %reduce_min3A [1] : vector<320x8192xf32> to vector<320xf32>
    %broadcast_in_dim3A = vector.shape_cast %reduce_min3A_18 : vector<320xf32> to vector<320x1xf32>
    %iota3A = tpu.iota {dimensions = array<i32: 1>} : vector<320x8192xi32>
    %eq3A = vector.broadcast %broadcast_in_dim3A : vector<320x1xf32> to vector<320x8192xf32>
    %eq3A_19 = arith.cmpf oeq, %sqrt3A, %eq3A : vector<320x8192xf32>
    %jit3A = arith.constant 8192 : i32
    %broadcast_in_dim3A_20 = vector.broadcast %jit3A : i32 to vector<320x8192xi32>
    %select_n3A = arith.select %eq3A_19, %iota3A, %broadcast_in_dim3A_20 : vector<320x8192xi1>, vector<320x8192xi32>
    %reduce_min3A_21 = arith.constant dense<2147483647> : vector<320xi32>
    %reduce_min3A_22 = vector.multi_reduction <minsi>, %select_n3A, %reduce_min3A_21 [1] : vector<320x8192xi32> to vector<320xi32>
    %swap3A = arith.constant 0 : index
    %swap3A_23 = arith.constant 0 : index
    %swap3A_24 = arith.constant 0 : index
    %swap3A_25 = vector.load %arg5[%swap3A, %swap3A_23, %swap3A_24] : memref<1x1x320xi32, #tpu.memory_space<vmem>>, vector<1x1x320xi32>
    %swap3A_26 = vector.shape_cast %swap3A_25 : vector<1x1x320xi32> to vector<320xi32>
    %swap3A_27 = vector.shape_cast %reduce_min3A_22 : vector<320xi32> to vector<1x1x320xi32>
    tpu.vector_store %arg5[%swap3A, %swap3A_23, %swap3A_24], %swap3A_27 {strides = array<i32>} : memref<1x1x320xi32, #tpu.memory_space<vmem>>, vector<1x1x320xi32>,
    return
  }
  func.func @transform_0(%arg0: i32) -> (i32, i32) {
    %c0_i32 = arith.constant 0 : i32
    %c0_i32_0 = arith.constant 0 : i32
    return %arg0, %c0_i32 : i32, i32
  }
  func.func @transform_1(%arg0: i32) -> (i32, i32) {
    %c0_i32 = arith.constant 0 : i32
    %c0_i32_0 = arith.constant 0 : i32
    %c0_i32_1 = arith.constant 0 : i32
    return %c0_i32, %c0_i32_0 : i32, i32
  }
  func.func @transform_2(%arg0: i32) -> (i32, i32) {
    %c0_i32 = arith.constant 0 : i32
    %c0_i32_0 = arith.constant 0 : i32
    return %arg0, %c0_i32 : i32, i32
  }
  func.func @transform_3(%arg0: i32) -> (i32, i32) {
    %c0_i32 = arith.constant 0 : i32
    %c0_i32_0 = arith.constant 0 : i32
    %c0_i32_1 = arith.constant 0 : i32
    return %c0_i32, %c0_i32_0 : i32, i32
  }
  func.func @transform_4(%arg0: i32) -> (i32, i32, i32) {
    %c0_i32 = arith.constant 0 : i32
    %c0_i32_0 = arith.constant 0 : i32
    %c0_i32_1 = arith.constant 0 : i32
    return %arg0, %c0_i32, %c0_i32_0 : i32, i32, i32
  }
}

</mosaic_0001>

<sc_bundles>
// kernel: kernel.4.cloned.1.call-start
scs
__scs_entry_jumppad:
0x0: {  	(pc) =	sbr.rel $0x88, $3  }
0x1: {  	(tag) =	ssettag $0x0;
	lr =	simm.s32 $0x1  }
0x2: {  	[smem:$0x3F9E] =	sst lr;
	_ =	strace $0xD0000000  }
0x3: {  	_ = 	snop  }
0x4: {  	_ = 	snop  }
0x5: {  	_ = 	snop  }
0x6: {  	_ = 	snop  }
0x7: {  	_ = 	snop  }
__scs_overlays_trampoline_lowered:
0x8: {  	[smem:$0x3FAD] =	sst s0  }
0x9: {  	[smem:$0x3FAE] =	sst s1  }
0xa: {  	[smem:$0x3FAF] =	sst s2  }
0xb: {  	[smem:$0x3FB0] =	sst s3  }
0xc: {  	[smem:$0x3FB1] =	sst s4  }
0xd: {  	[smem:$0x3FB2] =	sst s5  }
0xe: {  	[smem:$0x3FB3] =	sst s6  }
0xf: {  	[smem:$0x3FB4] =	sst s7  }
0x10: {  	[smem:$0x3FB5] =	sst s8  }
0x11: {  	[smem:$0x3FB6] =	sst s9;
	s0 =	simm.s32 @!p0 $0x0  }
0x12: {  	s1 =	sld [smem:$0x3F9C];
	s0 =	simm.s32 @p0 $0x1  }
0x13: {  	[smem:$0x3FB7] =	sst s0;
	s0 =	simm.s32 @!p1 $0x0  }
0x14: {  	s2 =	sld [smem:$0x3F9B];
	s0 =	simm.s32 @p1 $0x1  }
0x15: {  	[smem:$0x3FB8] =	sst s0;
	s0 =	simm.s32 @!p2 $0x0  }
0x16: {  	s3 =	sld [smem:$0x3FDB];
	s0 =	simm.s32 @p2 $0x1  }
0x17: {  	s4 =	simm.s32 $0x1BF5;
	[smem:$0x3FBA] =	sst s0  }
0x18: {  	s0 =	sld [smem:$0x3F9D];
	_ =	swait.ge [sflag:s4], $0x0  }
0x19: {  	s7 =	sld [smem:$0x3F9E]  }
0x1a: {  	s8 =	sadd.s32 $0xFFFFE003, lr  }
0x1b: {  	s9 =	sadd.s32 $0xFFFFFEF7, lr;
	s5 =	simm.s32 $0xFFFFFFFF;
	p2 =	slt.u32 s8, $0xFFFFF086  }
0x1c: {  	p1 =	slt.u32 s9, $0xF7A;
	s5 =	simm.s32 @!p2 $0x0  }
0x1d: {  	s5 =	simm.s32 @p1 $0x1;
	p0 =	seq.s32 s7, s2  }
0x1e: {  	s7 =	smul.u32 @!p0 $0xF7A, s2;
	p2 =	seq.s32 @!p0 s5, $0x0  }
0x1f: {  	s9 =	smul.u32 $0xF7A, s1;
	s8 =	simm.s32 @!p0 $0x1BF5;
	p2 =	por !p2, p0  }
0x20: {  	[sflag:s8] =	ssyncset.s32 @!p0 $0xFFFFF086;
	s6 =	sadd.s32 @!p0 s3, s7;
	s7 =	simm.s32 @!p0 $0x108  }
0x21: {  	s3 =	sadd.s32 s3, s9;
	s6 =	sadd.s32 @!p0 $0x88, s6;
	s7 =	simm.s32 @p2 $0x1082  }
0x22: {  	[simem:s7], [sflag:s8] =	dma.local @!p0 [hbm:s6], $0xF7A  }
0x23: {  	s9 =	sor.u32 $0xD0000000, s2;
	s6 =	simm.s32 $0x108;
	_ =	swait.ge @!p0 [sflag:s8], $0x0  }
0x24: {  	s3 =	sadd.s32 $0x88, s3;
	s6 =	simm.s32 @!p1 $0x1082;
	[sflag:s4] =	ssyncset.s32 $0xFFFFF086  }
0x25: {  	[simem:s6], [sflag:s4] =	dma.local [hbm:s3], $0xF7A  }
0x26: {  	[smem:$0x3F9E] =	sst s1;
	(tag) =	ssettag s2;
	_ =	strace s9  }
0x27: {  	s1 =	sld [smem:$0x3FAE]  }
0x28: {  	s2 =	sld [smem:$0x3FAF]  }
0x29: {  	s4 =	sld [smem:$0x3FB1]  }
0x2a: {  	p0 =	seq.s32 s5, $0x0;
	s5 =	sld [smem:$0x3FB2]  }
0x2b: {  	s6 =	sld [smem:$0x3FB3]  }
0x2c: {  	s7 =	sld [smem:$0x3FB4]  }
0x2d: {  	s3 =	simm.s32 $0x108;
	s8 =	sld [smem:$0x3FB5]  }
0x2e: {  	s3 =	simm.s32 @!p0 $0x1082;
	s9 =	sld [smem:$0x3FB6]  }
0x2f: {  	lr =	sadd.s32 s0, s3;
	s0 =	sld [smem:$0x3FAD]  }
0x30: {  	s3 =	sld [smem:$0x3FB0]  }
0x31: {  	[smem:$0x3FB9] =	sst s10  }
0x32: {  	s10 =	sld [smem:$0x3FB7];
	_ =	sdelay $0x3  }
0x33: {  	p0 =	seq.s32 s10, $0x1;
	s10 =	sld [smem:$0x3FB9];
	_ =	sdelay $0x3  }
0x34: {  	[smem:$0x3FB9] =	sst s10  }
0x35: {  	s10 =	sld [smem:$0x3FB8];
	_ =	sdelay $0x3  }
0x36: {  	p1 =	seq.s32 s10, $0x1;
	s10 =	sld [smem:$0x3FB9];
	_ =	sdelay $0x3  }
0x37: {  	[smem:$0x3FB9] =	sst s10  }
0x38: {  	s10 =	sld [smem:$0x3FBA]  }
0x39: {  	_ = 	snop;
	(pc) =	sbr.ind lr, $3  }
0x3a: {  	_ = 	snop  }
0x3b: {  	_ = 	snop  }
0x3c: {  	p2 =	seq.s32 s10, $0x1;
	s10 =	sld [smem:$0x3FB9]  }
0x3d: {  	_ =	shalt  }
0x3e: {  	_ =	shalt  }
0x3f: {  	_ =	shalt  }
0x40: {  	_ =	shalt  }
0x41: {  	_ =	shalt  }
0x42: {  	_ =	shalt  }
0x43: {  	_ =	shalt  }
0x44: {  	_ =	shalt  }
0x45: {  	_ =	shalt  }
0x46: {  	_ =	shalt  }
0x47: {  	_ =	shalt  }
0x48: {  	_ =	shalt  }
0x49: {  	_ =	shalt  }
0x4a: {  	_ =	shalt  }
0x4b: {  	_ =	shalt  }
0x4c: {  	_ =	shalt  }
0x4d: {  	_ =	shalt  }
0x4e: {  	_ =	shalt  }
0x4f: {  	_ =	shalt  }
0x50: {  	_ =	shalt  }
0x51: {  	_ =	shalt  }
0x52: {  	_ =	shalt  }
0x53: {  	_ =	shalt  }
0x54: {  	_ =	shalt  }
0x55: {  	_ =	shalt  }
0x56: {  	_ =	shalt  }
0x57: {  	_ =	shalt  }
0x58: {  	_ =	shalt  }
0x59: {  	_ =	shalt  }
0x5a: {  	_ =	shalt  }
0x5b: {  	_ =	shalt  }
0x5c: {  	_ =	shalt  }
0x5d: {  	_ =	shalt  }
0x5e: {  	_ =	shalt  }
0x5f: {  	_ =	shalt  }
0x60: {  	_ =	shalt  }
0x61: {  	_ =	shalt  }
0x62: {  	_ =	shalt  }
0x63: {  	_ =	shalt  }
0x64: {  	_ =	shalt  }
0x65: {  	_ =	shalt  }
0x66: {  	_ =	shalt  }
0x67: {  	_ =	shalt  }
0x68: {  	_ =	shalt  }
0x69: {  	_ =	shalt  }
0x6a: {  	_ =	shalt  }
0x6b: {  	_ =	shalt  }
0x6c: {  	_ =	shalt  }
0x6d: {  	_ =	shalt  }
0x6e: {  	_ =	shalt  }
0x6f: {  	_ =	shalt  }
0x70: {  	_ =	shalt  }
0x71: {  	_ =	shalt  }
0x72: {  	_ =	shalt  }
0x73: {  	_ =	shalt  }
0x74: {  	_ =	shalt  }
0x75: {  	_ =	shalt  }
0x76: {  	_ =	shalt  }
0x77: {  	_ =	shalt  }
0x78: {  	_ =	shalt  }
0x79: {  	_ =	shalt  }
0x7a: {  	_ =	shalt  }
0x7b: {  	_ =	shalt  }
0x7c: {  	_ =	shalt  }
0x7d: {  	_ =	shalt  }
0x7e: {  	_ =	shalt  }
0x7f: {  	_ =	shalt  }
0x80: {  	_ =	shalt  }
0x81: {  	_ =	shalt  }
0x82: {  	_ =	shalt  }
0x83: {  	_ =	shalt  }
0x84: {  	_ =	shalt  }
0x85: {  	_ =	shalt  }
0x86: {  	_ =	shalt  }
0x87: {  	_ =	shalt  }
.Lfunc_end0:
.L_simem_size_0:
called_computation_lowered:
.L_overlay_start_0:
0x88: {  	s2 =	sld [smem:$0x3FD9]  }
0x89: {  	s3 =	sld [smem:$0x3FFE];
	_ =	sdelay $0x1  }
0x8a: {  	s1 =	srdreg.scid  }
0x8b: {  	s0 =	sand.u32 $0x1, s1  }
0x8c: {  	s17 =	sshll.u32 s0, $0xA;
	s2 =	sadd.s32 s3, s2  }
0x8d: {  	s2 =	sadd.s32 s2, s17  }
0x8e: {  	[smem:$0x3FC5] =	sst s2  }
0x8f: {  	_ = 	snop  }
0x90: {  	s2 =	sld [smem:$0x3FD0];
	(tm) =	ssettm $0x1  }
0x91: {  	s18 =	sld [smem:$0x3FFB];
	_ =	sdelay $0x3  }
0x92: {  	_ =	strace s18  }
0x93: {  	s3 =	sld [smem:$0x3FFC];
	_ =	sdelay $0x3  }
0x94: {  	_ =	strace s3  }
0x95: {  	s3 =	sld [smem:$0x3FFD];
	_ =	sdelay $0x3  }
0x96: {  	_ =	strace s3  }
0x97: {  	_ =	strace $0x8FFFFFFF  }
0x98: {  	s19 =	sld [smem:$0x3FDB];
	_ =	sdelay $0x1  }
0x99: {  	s4 =	simm.s32 $_scs_section_size  }
0x9a: {  	s5 =	simm.s32 $_size__tile_overlayer_lowered;
	s6 =	simm.s32 $_tile_overlayer_lowered  }
0x9b: {  	s22 =	simm.s32 $0x1BFF;
	s21 =	sshll.u32 s6, $0x1;
	s3 =	sadd.s32 s4, s19  }
0x9c: {  	s7 =	simm.s32 $0x0;
	s20 =	sshll.u32 s5, $0x1;
	s5 =	sadd.s32 s21, s3  }
0x9d: {  	[timem:s7], [sflag:s22] =	dma.local [hbm:s5], s20  }
0x9e: {  	_ =	swait.ge [sflag:s22], s20  }
0x9f: {  	s4 =	ssub.s32 $0x0, s20;
	[sflag:s22] =	ssyncset.done $0x0  }
0xa0: {  	[sflag:s22] =	ssyncadd.s32 s4;
	_ =	sdelay $0x1  }
0xa1: {  	s23 =	simm.s32 $0x1B8B  }
0xa2: {  	_ =	swait.ge [sflag:s23], $0x1  }
0xa3: {  	[sflag:s23] =	ssyncset.done $0x0  }
0xa4: {  	s25 =	simm.s32 $0x1B8E;
	s24 =	sld [smem:$0x3FFE];
	[sflag:s23] =	ssyncadd.s32 $0xFFFFFFFF  }
0xa5: {  	s26 =	simm.s32 $execute0_lowered;
	[smem:$0x3FD2] =	sst s25  }
0xa6: {  	s5 =	sshll.u32 s26, $0x1;
	_ =	strace $0x80000046;
	[dreg:$0x1] =	wrdreg $0xFFFFFFFF  }
0xa7: {  	s28 =	simm.s32 $_size_execute0_lowered;
	s3 =	sadd.s32 s3, s5;
	[dreg:$0x0] =	wrdreg $0x0  }
0xa8: {  	s5 =	sshll.u32 s28, $0x1;
	[dreg:$0x2] =	wrdreg s3  }
0xa9: {  	[dreg:$0x3] =	wrdreg s5  }
0xaa: {  	[dreg:$0x4] =	wrdreg $0xC0  }
0xab: {  	_ =	task [dreg:s7], $0x5FFFF  }
0xac: {  	[dreg:$0x1] =	wrdreg $0xFFFFFFFF  }
0xad: {  	[dreg:$0x0] =	wrdreg $0x60  }
0xae: {  	[dreg:$0x2] =	wrdreg s2  }
0xaf: {  	[dreg:$0x3] =	wrdreg s24  }
0xb0: {  	[dreg:$0x4] =	wrdreg $0x9  }
0xb1: {  	_ =	task.clear_ibuf [dreg:s7], $0x5FFFF;
	_ =	strace $0x90000046  }
0xb2: {  	s29 =	simm.s32 $0x9;
	_ =	strace $0x80000048  }
0xb3: {  	_ =	swait.ge [sflag:s29], $0x1  }
0xb4: {  	[sflag:s29] =	ssyncadd.s32 $0xFFFFFFFF  }
0xb5: {  	_ =	strace $0x90000048  }
0xb6: {  	_ =	sfence  }
0xb7: {  	s30 =	sld [smem:$0x0];
	_ =	sdelay $0x2  }
0xb8: {  	s31 =	sshll.u32 s1, $0xD;
	s1 =	sshrl.u32 s1, $0x2  }
0xb9: {  	s3 =	sand.u32 $0x4000, s31;
	s1 =	sadd.s32 s1, s30  }
0xba: {  	s0 =	sor.u32 s3, s0;
	s1 =	sshll.u32 s1, $0x11  }
0xbb: {  	s0 =	sor.u32 s1, s0  }
0xbc: {  	s0 =	sadd.s32 $0x8F2B, s0  }
0xbd: {  	[sflag:s0] =	ssyncadd.remote.s32 $0x1  }
0xbe: {  	_ =	sfence.sel $0xFFFF  }
0xbf: {  	[dreg:$0x0] =	wrdreg $0xFFFFFFFF;
	(pc) =	sbr.abs _section_cstart, $3  }
0xc0: {  	[dreg:$0x1] =	wrdreg $0xFFFFFFFF  }
0xc1: {  	_ =	task.clear_ibuf [dreg:s7], $0x2FFFF;
	_ =	strace $0x9FFFFFFF  }
0xc2: {  	(tm) =	ssettm $0x7FFFFFFF  }
0xc3: {  	_ =	shalt  }
tec
execute0_lowered:
.L_overlay_start_1:
0x0: {  	(tag) =	ssettag $0x1  }
0x1: {  	s4 =	rddreg [dreg:$0x0]  }
0x2: {  	s5 =	rddreg [dreg:$0x1]  }
0x3: {  	s0 =	rddreg [dreg:$0x2]  }
0x4: {  	s2 =	simm.s32 $0x0;
	s3 =	srdreg.scid;
	s1 =	stileid.u32  }
0x5: {  	s12 =	simm.s32 $0x1F80;
	s13 =	simm.s32 $0x12380;
	s14 =	simm.s32 $0x12400  }
0x6: {  	s15 =	simm.s32 $0x12480;
	s6 =	sand.u32 $0x1, s3;
	s7 =	sshll.u32 s1, $0x1  }
0x7: {  	s16 =	simm.s32 $0x0;
	[smem:$0x7FF] =	sst s2;
	s7 =	sor.u32 s6, s7  }
0x8: {  	s3 =	sadd.s32 $0x1000, s5;
	s6 =	ssub.s32 $0x2, s6;
	s9 =	smul.u32 $0x3E8, s7  }
0x9: {  	s8 =	sshll.u32 s7, $0x1;
	s10 =	sshrl.u32 s6, $0x1;
	s7 =	smul.u32 $0x7D, s7  }
0xa: {  	_ =	strace $0x80000047;
	s8 =	sadd.s32 s8, s5;
	s10 =	ssub.s32 s6, s10  }
0xb: {  	s11 =	sadd.s32 s9, s5;
	s4 =	sadd.s32 s4, s9;
	s5 =	sadd.s32 s5, s7  }
0xc: {  	v1 =	vlaneseq.u32;
	s6 =	sadd.s32 $0x274200, s8;
	s7 =	sadd.s32 $0x274000, s8;
	s9 =	smax.u32 s10, $0x1  }
0xd: {  	v0 =	vshrl.u32 v1, $0x3;
	v1 =	vand.u32 $0x7, v1;
	s10 =	simm.s32 $0x2380;
	s8 =	sadd.s32 $0x3000, s11;
	s11 =	simm.s32 $0x1  }
.LBB2_1:
0xe: {  	[tilespmem:s10], [sflag:$0x1] =	stream.linear.gather [hbm4b:s3+s2], $0x10000, $0x38;
	[tilespmem:$0x14400] =	vst v63  }
0xf: {  	_ =	swait.ge [sflag:s11], $0x10000  }
0x10: {  	[sflag:s11] =	ssyncset.done $0x0  }
0x11: {  	[sflag:s11] =	ssyncadd.s32 $0xFFFF0000  }
0x12: {  	[tilespmem:s2], [sflag:$0x1] =	stream.linear.gather [hbm4b:s4+s2], $0x1F40, $0x38;
	[tilespmem:$0x14400] =	vst v63  }
0x13: {  	_ =	swait.ge [sflag:s11], $0x1F40  }
0x14: {  	[sflag:s11] =	ssyncset.done $0x0  }
0x15: {  	[sflag:s11] =	ssyncadd.s32 $0xFFFFE0C0  }
0x16: {  	[tilespmem:s12], [sflag:$0x1] =	stream.linear.gather [hbm4b:s5+s2], $0x3E8, $0x38;
	[tilespmem:$0x14400] =	vst v63  }
0x17: {  	_ =	swait.ge [sflag:s11], $0x3E8  }
0x18: {  	[sflag:s11] =	ssyncset.done $0x0  }
0x19: {  	[sflag:s11] =	ssyncadd.s32 $0xFFFFFC18  }
0x1a: {  	[tilespmem:s13], [sflag:$0x1] =	stream.linear.gather [hbm4b:s6+s2], $0x10, $0x38;
	[tilespmem:$0x14400] =	vst v63  }
0x1b: {  	_ =	swait.ge [sflag:s11], $0x10  }
0x1c: {  	[sflag:s11] =	ssyncset.done $0x0  }
0x1d: {  	v2 =	vor.u32 s2, v0;
	[sflag:s11] =	ssyncadd.s32 $0xFFFFFFF0  }
0x1e: {  	[tilespmem:s14], [sflag:$0x1] =	stream.linear.gather [hbm4b:s7+s2], $0x10, $0x38;
	[tilespmem:$0x14400] =	vst v63  }
0x1f: {  	_ =	swait.ge [sflag:s11], $0x10  }
0x20: {  	[sflag:s11] =	ssyncset.done $0x0  }
0x21: {  	[sflag:s11] =	ssyncadd.s32 $0xFFFFFFF0  }
0x22: {  	v2 =	vld.idx.msk [tilespmem:v2+s12+$0x0], $0xffff;
	_ =	sdelay $0x4  }
0x23: {  	v2 =	vshll.u32 v2, $0x3  }
0x24: {  	v4 =	vor.u32 v1, v2;
	_ =	sdelay $0x1  }
0x25: {  	v3 =	vld [tilespmem:$0x12400]  }
0x26: {  	v5 =	vld [tilespmem:s2+$0x0]  }
0x27: {  	v2 =	vld [tilespmem:$0x12380]  }
0x28: {  	v4 =	vld.idx.msk [tilespmem:v4+s10+$0x0], $0xffff;
	_ =	sdelay $0x3  }
0x29: {  	s17 =	simm.s32 $0x2  }
0x2a: {  	v6 =	vor.u32 s17, v0;
	v5 =	vmul.f32 v5, v2;
	v4 =	vmul.f32 v4, v3;
	_ =	sdelay $0x1  }
0x2b: {  	v4 =	vadd.f32 v5, v4;
	_ =	sdelay $0x1  }
0x2c: {  	[tilespmem:s15+$0x0] =	vst v4  }
0x2d: {  	v4 =	vld.idx.msk [tilespmem:v6+s12+$0x0], $0xffff;
	_ =	sdelay $0x4  }
0x2e: {  	v4 =	vshll.u32 v4, $0x3  }
0x2f: {  	v4 =	vor.u32 v1, v4;
	_ =	sdelay $0x2  }
0x30: {  	s17 =	simm.s32 $0x10  }
0x31: {  	v5 =	vld [tilespmem:s17+$0x0]  }
0x32: {  	v6 =	vld.idx.msk [tilespmem:v4+s10+$0x0], $0xffff;
	_ =	sdelay $0x3  }
0x33: {  	s18 =	simm.s32 $0x4  }
0x34: {  	s19 =	simm.s32 $0x12480;
	v5 =	vmul.f32 v5, v2;
	v4 =	vor.u32 s18, v0;
	s18 =	simm.s32 $0x6;
	v6 =	vmul.f32 v6, v3  }
.LBB2_2:
0x35: {  	p0 =	sne.s32 s18, $0x3E6  }
0x36: {  	v5 =	vadd.f32 v5, v6  }
0x37: {  	s19 =	sadd.s32 $0x10, s19  }
0x38: {  	[tilespmem:s19+$0x0] =	vst v5  }
0x39: {  	v4 =	vld.idx.msk [tilespmem:v4+s12+$0x0], $0xffff;
	_ =	sdelay $0x5  }
0x3a: {  	v4 =	vshll.u32 v4, $0x3  }
0x3b: {  	v4 =	vor.u32 v1, v4;
	_ =	sdelay $0x4  }
0x3c: {  	s17 =	sadd.s32 $0x10, s17;
	v6 =	vld.idx.msk [tilespmem:v4+s10+$0x0], $0xffff  }
0x3d: {  	v5 =	vld [tilespmem:s17+$0x0]  }
.Ltmp0:
0x3e: {  	(pc) =	sbr.rel @p0 .LBB2_2-.Ltmp0, $2  }
0x3f: {  	_ =	sdelay $0x2  }
0x40: {  	v4 =	vor.u32 s18, v0;
	s18 =	sadd.s32 $0x2, s18;
	v6 =	vmul.f32 v6, v3;
	v5 =	vmul.f32 v5, v2  }
0x41: {  	_ = 	snop  }
0x42: {  	v5 =	vadd.f32 v5, v6  }
0x43: {  	s18 =	sadd.s32 $0x10, s19  }
0x44: {  	[tilespmem:s18+$0x0] =	vst v5  }
0x45: {  	v4 =	vld.idx.msk [tilespmem:v4+s12+$0x0], $0xffff;
	_ =	sdelay $0x4  }
0x46: {  	v4 =	vshll.u32 v4, $0x3  }
0x47: {  	v4 =	vor.u32 v1, v4;
	_ =	sdelay $0x2  }
0x48: {  	s17 =	sadd.s32 $0x10, s17  }
0x49: {  	v5 =	vld [tilespmem:s17+$0x0]  }
0x4a: {  	v4 =	vld.idx.msk [tilespmem:v4+s10+$0x0], $0xffff;
	_ =	sdelay $0x4  }
0x4b: {  	v2 =	vmul.f32 v5, v2;
	v3 =	vmul.f32 v4, v3;
	_ =	sdelay $0x1  }
0x4c: {  	s16 =	sadd.s32 $0x1, s16;
	v2 =	vadd.f32 v2, v3  }
0x4d: {  	s31 =	sadd.s32 $0x10, s18;
	p0 =	sne.s32 s16, s9  }
.Ltmp1:
0x4e: {  	[tilespmem:s31+$0x0] =	vst v2;
	(pc) =	sbr.rel @p0 .LBB2_1-.Ltmp1, $4  }
0x4f: {  	[hbm4b:s8+s2] =	stream.linear.scatter [tilespmem:s15], [sflag:$0x1], $0x1F40, $0x38;
	[tilespmem:$0x14400] =	vst v63  }
0x50: {  	_ =	swait.ge [sflag:s11], $0x1F40  }
0x51: {  	[sflag:s11] =	ssyncset.done $0x0  }
0x52: {  	[sflag:s11] =	ssyncadd.s32 $0xFFFFE0C0  }
0x53: {  	_ =	sfence.sel $0x180000  }
0x54: {  	[bflag:$0x0] =	sbarrier.arrive $0xFFFF  }
0x55: {  	p0 =	sne.s32 s1, $0x0;
	_ =	strace $0x90000047  }
0x56: {  	s0 =	sadd.s32 @!p0 $0x100000, s0;
	[bflag:$0x2] =	sbarrier.arrive $0xFFFF  }
0x57: {  	[sflag:s0] =	ssyncadd.tile.s32 @!p0 $0x1;
	_ =	shalt  }
.Lfunc_end2:
_tile_overlayer_lowered:
.L_overlay_start_2:
0x58: {  	(tag) =	ssettag $0x2  }
0x59: {  	s0 =	rddreg [dreg:$0x0];
	s2 =	stileid.u32  }
0x5a: {  	s1 =	rddreg [dreg:$0x1];
	p0 =	sne.s32 s2, $0x0  }
0x5b: {  	s3 =	rddreg [dreg:$0x2];
	[bflag:$0x3] =	sbarrier.arrive $0xFFFF;
	s2 =	simm.s32 @!p0 $0x1C01  }
0x5c: {  	[timem:s3], [sflag:s2] =	dma.local @!p0 [hbm:s0], s1  }
0x5d: {  	s0 =	simm.s32 @!p0 $0x1  }
0x5e: {  	_ =	swait.ge @!p0 [sflag:s0], s1  }
0x5f: {  	s1 =	ssub.s32 @!p0 $0x0, s1;
	[sflag:s0] =	ssyncset.done @!p0 $0x0  }
0x60: {  	[sflag:s0] =	ssyncadd.s32 @!p0 s1  }
0x61: {  	[bflag:$0x3] =	sbarrier.arrive $0xFFFF  }
0x62: {  	_ =	shalt  }

</sc_bundles>
